<compile_context>
chip_gen: v7x
topology: tpu7x:2x2x1
jax: 0.10.2.dev20260603
libtpu: 0.0.44.dev20260713+nightly
codegen_flags: <defaults>
</compile_context>

<pallas_src>
import functools

import jax
import jax.numpy as jnp
from jax import lax
from jax.experimental import pallas as pl
from jax.experimental.pallas import tpu as pltpu
from jax.experimental.pallas import tpu_sc as plsc

_NUM_CARDS = 52
_NUM_RANKS = 13
_NUM_SUITS = 4
_HALF = 64
_EMBED = 128
_BLOCK = 8192


def _build_card_feats(rank_embed, suit_embed):
    nc = 1
    mesh = plsc.VectorSubcoreMesh(
        core_axis_name="c", subcore_axis_name="s", num_cores=nc)

    @functools.partial(
        pl.kernel,
        mesh=mesh,
        out_type=jax.ShapeDtypeStruct((_NUM_CARDS, _EMBED), jnp.float32),
        scratch_types=[
            pltpu.VMEM((_HALF,), jnp.float32),
            pltpu.VMEM((_NUM_SUITS, _HALF), jnp.float32),
            pltpu.VMEM((_NUM_SUITS, _EMBED), jnp.float32),
            pltpu.SemaphoreType.DMA,
            pltpu.SemaphoreType.DMA,
        ],
    )
    def build(rank_hbm, suit_hbm, out_hbm, rank_row, suit_v, out_v, sem1, sem2):
        wid = lax.axis_index("s") * nc + lax.axis_index("c")

        @pl.when(wid < _NUM_RANKS)
        def _():
            cp1 = pltpu.async_copy(rank_hbm.at[wid], rank_row, sem1)
            cp2 = pltpu.async_copy(suit_hbm, suit_v, sem2)
            cp1.wait()
            cp2.wait()
            for s in range(_NUM_SUITS):
                for j in range(_HALF // 16):
                    out_v[s, pl.ds(j * 16, 16)] = rank_row[pl.ds(j * 16, 16)]
                for j in range(_HALF // 16):
                    out_v[s, pl.ds(_HALF + j * 16, 16)] = suit_v[s, pl.ds(j * 16, 16)]
            pltpu.sync_copy(out_v, out_hbm.at[pl.ds(wid * _NUM_SUITS, _NUM_SUITS)])

    return build(rank_embed, suit_embed)


def _pool_body(hand_ref, cf_ref, out_ref):
    h = hand_ref[...]
    cf = cf_ref[...]
    cnt = jnp.maximum(jnp.sum(h, axis=1, keepdims=True), 1.0)
    out_ref[...] = jnp.dot(h, cf, preferred_element_type=jnp.float32) / cnt


def _pool(hand_onehot, card_feats):
    b = hand_onehot.shape[0]
    blk = _BLOCK if b % _BLOCK == 0 else b
    return pl.pallas_call(
        _pool_body,
        grid=(b // blk,),
        in_specs=[
            pl.BlockSpec((blk, _NUM_CARDS), lambda i: (i, 0)),
            pl.BlockSpec((_NUM_CARDS, _EMBED), lambda i: (0, 0)),
        ],
        out_specs=pl.BlockSpec((blk, _EMBED), lambda i: (i, 0)),
        out_shape=jax.ShapeDtypeStruct((b, _EMBED), jnp.float32),
    )(hand_onehot, card_feats)


def kernel(hand_onehot, rank_embed, suit_embed):
    card_feats = _build_card_feats(rank_embed, suit_embed)
    return _pool(hand_onehot, card_feats)

# --- scband reference (transcript-rebuilt; emitter-appended) ---
"""Pipeline reference for scband-card-encoder-3255585211076 (READ-ONLY COPY).

The authoritative reference and input builder live on the scoring server;
editing this copy changes nothing except your own understanding.
"""

import jax, jax.numpy as jnp
import numpy as np

EMBED_DIM = 128
BATCH = 16384


def setup_inputs(seed: int = 0) -> dict:
    key = jax.random.key(seed)
    k1, k2, k3 = jax.random.split(key, 3)
    hand_onehot = jax.random.uniform(k1, (BATCH, 52), dtype=jnp.float32)
    rank_embed = jax.random.normal(k2, (13, EMBED_DIM // 2), dtype=jnp.float32)
    suit_embed = jax.random.normal(k3, (4, EMBED_DIM // 2), dtype=jnp.float32)
    return {"hand_onehot": hand_onehot, "rank_embed": rank_embed, "suit_embed": suit_embed}


def reference(hand_onehot, rank_embed, suit_embed):
    card_indices = jnp.arange(52)
    ranks = card_indices // 4
    suits = card_indices % 4
    # embedding lookups (gathers)
    rank_feats = jnp.take(rank_embed, ranks, axis=0)  # (52, embed_dim//2)
    suit_feats = jnp.take(suit_embed, suits, axis=0)  # (52, embed_dim//2)
    card_feats = jnp.concatenate([rank_feats, suit_feats], axis=-1)  # (52, embed_dim)
    masked = card_feats[None, :, :] * hand_onehot[:, :, None]  # (B, 52, embed_dim)
    card_count = jnp.clip(jnp.sum(hand_onehot, axis=1, keepdims=True), 1.0, None)  # (B, 1)
    hand_repr = jnp.sum(masked, axis=1) / card_count  # (B, embed_dim)
    return hand_repr

if __name__ == "__main__":
    import jax
    _d = setup_inputs()
    print(jax.jit(kernel)(*tuple(_d.values())))

</pallas_src>

<mosaic_0001>
#map = affine_map<(d0, d1) -> (0, 0)>
module attributes {stable_mosaic.version = 14 : i64} {
  func.func @build(%arg0: i32, %arg1: i32, %arg2: memref<13x64xf32, #tpu.memory_space<hbm>>, %arg3: memref<4x64xf32, #tpu.memory_space<hbm>>, %arg4: memref<52x128xf32, #tpu.memory_space<hbm>>, %arg5: memref<64xf32, #tpu.memory_space<vmem>>, %arg6: memref<4x64xf32, #tpu.memory_space<vmem>>, %arg7: memref<4x128xf32, #tpu.memory_space<vmem>>, %arg8: memref<!tpu.dma_semaphore, #tpu.memory_space<semaphore_mem>>, %arg9: memref<!tpu.dma_semaphore, #tpu.memory_space<semaphore_mem>>) attributes {dimension_semantics = [#tpu.dimension_semantics<core_parallel>, #tpu.dimension_semantics<subcore_parallel>], iteration_bounds = array<i64: 1, 16>, scalar_prefetch = 0 : i64, scratch_operands = 5 : i64, tpu.core_type = #tpu.core_type<sc_vector_subcore>, window_params = [{transform_indices = #map}, {transform_indices = #map}, {transform_indices = #map}]} {
    %mul3A = arith.constant 1 : i32
    %mul3A_0 = arith.muli %arg1, %mul3A : i32
    %add3A = arith.addi %mul3A_0, %arg0 : i32
    %lt3A = arith.constant 13 : i32
    %lt3A_1 = arith.cmpi slt, %add3A, %lt3A : i32
    %convert_element_type3A = arith.extui %lt3A_1 : i1 to i32
    %cond3A = arith.constant 0 : i32
    %cond3A_2 = arith.cmpi ne, %convert_element_type3A, %cond3A : i32
    scf.if %cond3A_2 {
      %dma_start3A = arith.constant 0 : i32
      %dma_start3A_3 = tpu.memref_slice %arg2[%add3A, %dma_start3A] : memref<13x64xf32, #tpu.memory_space<hbm>> -> memref<1x64xf32, #tpu.memory_space<hbm>>
      %dma_start3A_4 = tpu.memref_squeeze %dma_start3A_3 : memref<1x64xf32, #tpu.memory_space<hbm>> -> memref<64xf32, #tpu.memory_space<hbm>>
      %dma_start3A_5 = arith.constant 0 : i32
      %dma_start3A_6 = tpu.memref_slice %arg2[%add3A, %dma_start3A_5] : memref<13x64xf32, #tpu.memory_space<hbm>> -> memref<1x64xf32, #tpu.memory_space<hbm>>
      %dma_start3A_7 = tpu.memref_squeeze %dma_start3A_6 : memref<1x64xf32, #tpu.memory_space<hbm>> -> memref<64xf32, #tpu.memory_space<hbm>>
      tpu.enqueue_dma source(%dma_start3A_7 : memref<64xf32, #tpu.memory_space<hbm>>) target(%arg5 : memref<64xf32, #tpu.memory_space<vmem>>) target_semaphore(%arg8 : memref<!tpu.dma_semaphore, #tpu.memory_space<semaphore_mem>>)
      tpu.enqueue_dma source(%arg3 : memref<4x64xf32, #tpu.memory_space<hbm>>) target(%arg6 : memref<4x64xf32, #tpu.memory_space<vmem>>) target_semaphore(%arg9 : memref<!tpu.dma_semaphore, #tpu.memory_space<semaphore_mem>>)
      %dma_wait3A = arith.constant 0 : i32
      %dma_wait3A_8 = tpu.memref_slice %arg2[%add3A, %dma_wait3A] : memref<13x64xf32, #tpu.memory_space<hbm>> -> memref<1x64xf32, #tpu.memory_space<hbm>>
      %dma_wait3A_9 = tpu.memref_squeeze %dma_wait3A_8 : memref<1x64xf32, #tpu.memory_space<hbm>> -> memref<64xf32, #tpu.memory_space<hbm>>
      %dma_wait3A_10 = arith.constant 0 : i32
      %dma_wait3A_11 = tpu.memref_slice %arg2[%add3A, %dma_wait3A_10] : memref<13x64xf32, #tpu.memory_space<hbm>> -> memref<1x64xf32, #tpu.memory_space<hbm>>
      %dma_wait3A_12 = tpu.memref_squeeze %dma_wait3A_11 : memref<1x64xf32, #tpu.memory_space<hbm>> -> memref<64xf32, #tpu.memory_space<hbm>>
      tpu.wait_dma2 semaphore(%arg8 : memref<!tpu.dma_semaphore, #tpu.memory_space<semaphore_mem>>) src(%dma_wait3A_12 : memref<64xf32, #tpu.memory_space<hbm>>) dst(%arg5 : memref<64xf32, #tpu.memory_space<vmem>>)
      tpu.wait_dma2 semaphore(%arg9 : memref<!tpu.dma_semaphore, #tpu.memory_space<semaphore_mem>>) src(%arg3 : memref<4x64xf32, #tpu.memory_space<hbm>>) dst(%arg6 : memref<4x64xf32, #tpu.memory_space<vmem>>)
      %get3A = arith.constant 0 : index
      %get3A_13 = tpu.vector_load %arg5[%get3A] {strides = array<i32>} : memref<64xf32, #tpu.memory_space<vmem>>, vector<16xf32>,
      %get3A_14 = vector.shape_cast %get3A_13 : vector<16xf32> to vector<16xf32>
      %swap3A = arith.constant 0 : i32
      %swap3A_15 = arith.index_cast %swap3A : i32 to index
      %swap3A_16 = arith.constant 0 : index
      %swap3A_17 = tpu.vector_load %arg7[%swap3A_15, %swap3A_16] {strides = array<i32>} : memref<4x128xf32, #tpu.memory_space<vmem>>, vector<1x16xf32>,
      %swap3A_18 = vector.shape_cast %swap3A_17 : vector<1x16xf32> to vector<16xf32>
      %swap3A_19 = vector.shape_cast %get3A_14 : vector<16xf32> to vector<1x16xf32>
      tpu.vector_store %arg7[%swap3A_15, %swap3A_16], %swap3A_19 {strides = array<i32>} : memref<4x128xf32, #tpu.memory_space<vmem>>, vector<1x16xf32>,
      %get3A_20 = arith.constant 16 : index
      %get3A_21 = tpu.vector_load %arg5[%get3A_20] {strides = array<i32>} : memref<64xf32, #tpu.memory_space<vmem>>, vector<16xf32>,
      %get3A_22 = vector.shape_cast %get3A_21 : vector<16xf32> to vector<16xf32>
      %swap3A_23 = arith.constant 0 : i32
      %swap3A_24 = arith.index_cast %swap3A_23 : i32 to index
      %swap3A_25 = arith.constant 16 : index
      %swap3A_26 = tpu.vector_load %arg7[%swap3A_24, %swap3A_25] {strides = array<i32>} : memref<4x128xf32, #tpu.memory_space<vmem>>, vector<1x16xf32>,
      %swap3A_27 = vector.shape_cast %swap3A_26 : vector<1x16xf32> to vector<16xf32>
      %swap3A_28 = vector.shape_cast %get3A_22 : vector<16xf32> to vector<1x16xf32>
      tpu.vector_store %arg7[%swap3A_24, %swap3A_25], %swap3A_28 {strides = array<i32>} : memref<4x128xf32, #tpu.memory_space<vmem>>, vector<1x16xf32>,
      %get3A_29 = arith.constant 32 : index
      %get3A_30 = tpu.vector_load %arg5[%get3A_29] {strides = array<i32>} : memref<64xf32, #tpu.memory_space<vmem>>, vector<16xf32>,
      %get3A_31 = vector.shape_cast %get3A_30 : vector<16xf32> to vector<16xf32>
      %swap3A_32 = arith.constant 0 : i32
      %swap3A_33 = arith.index_cast %swap3A_32 : i32 to index
      %swap3A_34 = arith.constant 32 : index
      %swap3A_35 = tpu.vector_load %arg7[%swap3A_33, %swap3A_34] {strides = array<i32>} : memref<4x128xf32, #tpu.memory_space<vmem>>, vector<1x16xf32>,
      %swap3A_36 = vector.shape_cast %swap3A_35 : vector<1x16xf32> to vector<16xf32>
      %swap3A_37 = vector.shape_cast %get3A_31 : vector<16xf32> to vector<1x16xf32>
      tpu.vector_store %arg7[%swap3A_33, %swap3A_34], %swap3A_37 {strides = array<i32>} : memref<4x128xf32, #tpu.memory_space<vmem>>, vector<1x16xf32>,
      %get3A_38 = arith.constant 48 : index
      %get3A_39 = tpu.vector_load %arg5[%get3A_38] {strides = array<i32>} : memref<64xf32, #tpu.memory_space<vmem>>, vector<16xf32>,
      %get3A_40 = vector.shape_cast %get3A_39 : vector<16xf32> to vector<16xf32>
      %swap3A_41 = arith.constant 0 : i32
      %swap3A_42 = arith.index_cast %swap3A_41 : i32 to index
      %swap3A_43 = arith.constant 48 : index
      %swap3A_44 = tpu.vector_load %arg7[%swap3A_42, %swap3A_43] {strides = array<i32>} : memref<4x128xf32, #tpu.memory_space<vmem>>, vector<1x16xf32>,
      %swap3A_45 = vector.shape_cast %swap3A_44 : vector<1x16xf32> to vector<16xf32>
      %swap3A_46 = vector.shape_cast %get3A_40 : vector<16xf32> to vector<1x16xf32>
      tpu.vector_store %arg7[%swap3A_42, %swap3A_43], %swap3A_46 {strides = array<i32>} : memref<4x128xf32, #tpu.memory_space<vmem>>, vector<1x16xf32>,
      %get3A_47 = arith.constant 0 : i32
      %get3A_48 = arith.index_cast %get3A_47 : i32 to index
      %get3A_49 = arith.constant 0 : index
      %get3A_50 = tpu.vector_load %arg6[%get3A_48, %get3A_49] {strides = array<i32>} : memref<4x64xf32, #tpu.memory_space<vmem>>, vector<1x16xf32>,
      %get3A_51 = vector.shape_cast %get3A_50 : vector<1x16xf32> to vector<16xf32>
      %swap3A_52 = arith.constant 0 : i32
      %swap3A_53 = arith.index_cast %swap3A_52 : i32 to index
      %swap3A_54 = arith.constant 64 : index
      %swap3A_55 = tpu.vector_load %arg7[%swap3A_53, %swap3A_54] {strides = array<i32>} : memref<4x128xf32, #tpu.memory_space<vmem>>, vector<1x16xf32>,
      %swap3A_56 = vector.shape_cast %swap3A_55 : vector<1x16xf32> to vector<16xf32>
      %swap3A_57 = vector.shape_cast %get3A_51 : vector<16xf32> to vector<1x16xf32>
      tpu.vector_store %arg7[%swap3A_53, %swap3A_54], %swap3A_57 {strides = array<i32>} : memref<4x128xf32, #tpu.memory_space<vmem>>, vector<1x16xf32>,
      %get3A_58 = arith.constant 0 : i32
      %get3A_59 = arith.index_cast %get3A_58 : i32 to index
      %get3A_60 = arith.constant 16 : index
      %get3A_61 = tpu.vector_load %arg6[%get3A_59, %get3A_60] {strides = array<i32>} : memref<4x64xf32, #tpu.memory_space<vmem>>, vector<1x16xf32>,
      %get3A_62 = vector.shape_cast %get3A_61 : vector<1x16xf32> to vector<16xf32>
      %swap3A_63 = arith.constant 0 : i32
      %swap3A_64 = arith.index_cast %swap3A_63 : i32 to index
      %swap3A_65 = arith.constant 80 : index
      %swap3A_66 = tpu.vector_load %arg7[%swap3A_64, %swap3A_65] {strides = array<i32>} : memref<4x128xf32, #tpu.memory_space<vmem>>, vector<1x16xf32>,
      %swap3A_67 = vector.shape_cast %swap3A_66 : vector<1x16xf32> to vector<16xf32>
      %swap3A_68 = vector.shape_cast %get3A_62 : vector<16xf32> to vector<1x16xf32>
      tpu.vector_store %arg7[%swap3A_64, %swap3A_65], %swap3A_68 {strides = array<i32>} : memref<4x128xf32, #tpu.memory_space<vmem>>, vector<1x16xf32>,
      %get3A_69 = arith.constant 0 : i32
      %get3A_70 = arith.index_cast %get3A_69 : i32 to index
      %get3A_71 = arith.constant 32 : index
      %get3A_72 = tpu.vector_load %arg6[%get3A_70, %get3A_71] {strides = array<i32>} : memref<4x64xf32, #tpu.memory_space<vmem>>, vector<1x16xf32>,
      %get3A_73 = vector.shape_cast %get3A_72 : vector<1x16xf32> to vector<16xf32>
      %swap3A_74 = arith.constant 0 : i32
      %swap3A_75 = arith.index_cast %swap3A_74 : i32 to index
      %swap3A_76 = arith.constant 96 : index
      %swap3A_77 = tpu.vector_load %arg7[%swap3A_75, %swap3A_76] {strides = array<i32>} : memref<4x128xf32, #tpu.memory_space<vmem>>, vector<1x16xf32>,
      %swap3A_78 = vector.shape_cast %swap3A_77 : vector<1x16xf32> to vector<16xf32>
      %swap3A_79 = vector.shape_cast %get3A_73 : vector<16xf32> to vector<1x16xf32>
      tpu.vector_store %arg7[%swap3A_75, %swap3A_76], %swap3A_79 {strides = array<i32>} : memref<4x128xf32, #tpu.memory_space<vmem>>, vector<1x16xf32>,
      %get3A_80 = arith.constant 0 : i32
      %get3A_81 = arith.index_cast %get3A_80 : i32 to index
      %get3A_82 = arith.constant 48 : index
      %get3A_83 = tpu.vector_load %arg6[%get3A_81, %get3A_82] {strides = array<i32>} : memref<4x64xf32, #tpu.memory_space<vmem>>, vector<1x16xf32>,
      %get3A_84 = vector.shape_cast %get3A_83 : vector<1x16xf32> to vector<16xf32>
      %swap3A_85 = arith.constant 0 : i32
      %swap3A_86 = arith.index_cast %swap3A_85 : i32 to index
      %swap3A_87 = arith.constant 112 : index
      %swap3A_88 = tpu.vector_load %arg7[%swap3A_86, %swap3A_87] {strides = array<i32>} : memref<4x128xf32, #tpu.memory_space<vmem>>, vector<1x16xf32>,
      %swap3A_89 = vector.shape_cast %swap3A_88 : vector<1x16xf32> to vector<16xf32>
      %swap3A_90 = vector.shape_cast %get3A_84 : vector<16xf32> to vector<1x16xf32>
      tpu.vector_store %arg7[%swap3A_86, %swap3A_87], %swap3A_90 {strides = array<i32>} : memref<4x128xf32, #tpu.memory_space<vmem>>, vector<1x16xf32>,
      %get3A_91 = arith.constant 0 : index
      %get3A_92 = tpu.vector_load %arg5[%get3A_91] {strides = array<i32>} : memref<64xf32, #tpu.memory_space<vmem>>, vector<16xf32>,
      %get3A_93 = vector.shape_cast %get3A_92 : vector<16xf32> to vector<16xf32>
      %swap3A_94 = arith.constant 1 : i32
      %swap3A_95 = arith.index_cast %swap3A_94 : i32 to index
      %swap3A_96 = arith.constant 0 : index
      %swap3A_97 = tpu.vector_load %arg7[%swap3A_95, %swap3A_96] {strides = array<i32>} : memref<4x128xf32, #tpu.memory_space<vmem>>, vector<1x16xf32>,
      %swap3A_98 = vector.shape_cast %swap3A_97 : vector<1x16xf32> to vector<16xf32>
      %swap3A_99 = vector.shape_cast %get3A_93 : vector<16xf32> to vector<1x16xf32>
      tpu.vector_store %arg7[%swap3A_95, %swap3A_96], %swap3A_99 {strides = array<i32>} : memref<4x128xf32, #tpu.memory_space<vmem>>, vector<1x16xf32>,
      %get3A_100 = arith.constant 16 : index
      %get3A_101 = tpu.vector_load %arg5[%get3A_100] {strides = array<i32>} : memref<64xf32, #tpu.memory_space<vmem>>, vector<16xf32>,
      %get3A_102 = vector.shape_cast %get3A_101 : vector<16xf32> to vector<16xf32>
      %swap3A_103 = arith.constant 1 : i32
      %swap3A_104 = arith.index_cast %swap3A_103 : i32 to index
      %swap3A_105 = arith.constant 16 : index
      %swap3A_106 = tpu.vector_load %arg7[%swap3A_104, %swap3A_105] {strides = array<i32>} : memref<4x128xf32, #tpu.memory_space<vmem>>, vector<1x16xf32>,
      %swap3A_107 = vector.shape_cast %swap3A_106 : vector<1x16xf32> to vector<16xf32>
      %swap3A_108 = vector.shape_cast %get3A_102 : vector<16xf32> to vector<1x16xf32>
      tpu.vector_store %arg7[%swap3A_104, %swap3A_105], %swap3A_108 {strides = array<i32>} : memref<4x128xf32, #tpu.memory_space<vmem>>, vector<1x16xf32>,
      %get3A_109 = arith.constant 32 : index
      %get3A_110 = tpu.vector_load %arg5[%get3A_109] {strides = array<i32>} : memref<64xf32, #tpu.memory_space<vmem>>, vector<16xf32>,
      %get3A_111 = vector.shape_cast %get3A_110 : vector<16xf32> to vector<16xf32>
      %swap3A_112 = arith.constant 1 : i32
      %swap3A_113 = arith.index_cast %swap3A_112 : i32 to index
      %swap3A_114 = arith.constant 32 : index
      %swap3A_115 = tpu.vector_load %arg7[%swap3A_113, %swap3A_114] {strides = array<i32>} : memref<4x128xf32, #tpu.memory_space<vmem>>, vector<1x16xf32>,
      %swap3A_116 = vector.shape_cast %swap3A_115 : vector<1x16xf32> to vector<16xf32>
      %swap3A_117 = vector.shape_cast %get3A_111 : vector<16xf32> to vector<1x16xf32>
      tpu.vector_store %arg7[%swap3A_113, %swap3A_114], %swap3A_117 {strides = array<i32>} : memref<4x128xf32, #tpu.memory_space<vmem>>, vector<1x16xf32>,
      %get3A_118 = arith.constant 48 : index
      %get3A_119 = tpu.vector_load %arg5[%get3A_118] {strides = array<i32>} : memref<64xf32, #tpu.memory_space<vmem>>, vector<16xf32>,
      %get3A_120 = vector.shape_cast %get3A_119 : vector<16xf32> to vector<16xf32>
      %swap3A_121 = arith.constant 1 : i32
      %swap3A_122 = arith.index_cast %swap3A_121 : i32 to index
      %swap3A_123 = arith.constant 48 : index
      %swap3A_124 = tpu.vector_load %arg7[%swap3A_122, %swap3A_123] {strides = array<i32>} : memref<4x128xf32, #tpu.memory_space<vmem>>, vector<1x16xf32>,
      %swap3A_125 = vector.shape_cast %swap3A_124 : vector<1x16xf32> to vector<16xf32>
      %swap3A_126 = vector.shape_cast %get3A_120 : vector<16xf32> to vector<1x16xf32>
      tpu.vector_store %arg7[%swap3A_122, %swap3A_123], %swap3A_126 {strides = array<i32>} : memref<4x128xf32, #tpu.memory_space<vmem>>, vector<1x16xf32>,
      %get3A_127 = arith.constant 1 : i32
      %get3A_128 = arith.index_cast %get3A_127 : i32 to index
      %get3A_129 = arith.constant 0 : index
      %get3A_130 = tpu.vector_load %arg6[%get3A_128, %get3A_129] {strides = array<i32>} : memref<4x64xf32, #tpu.memory_space<vmem>>, vector<1x16xf32>,
      %get3A_131 = vector.shape_cast %get3A_130 : vector<1x16xf32> to vector<16xf32>
      %swap3A_132 = arith.constant 1 : i32
      %swap3A_133 = arith.index_cast %swap3A_132 : i32 to index
      %swap3A_134 = arith.constant 64 : index
      %swap3A_135 = tpu.vector_load %arg7[%swap3A_133, %swap3A_134] {strides = array<i32>} : memref<4x128xf32, #tpu.memory_space<vmem>>, vector<1x16xf32>,
      %swap3A_136 = vector.shape_cast %swap3A_135 : vector<1x16xf32> to vector<16xf32>
      %swap3A_137 = vector.shape_cast %get3A_131 : vector<16xf32> to vector<1x16xf32>
      tpu.vector_store %arg7[%swap3A_133, %swap3A_134], %swap3A_137 {strides = array<i32>} : memref<4x128xf32, #tpu.memory_space<vmem>>, vector<1x16xf32>,
      %get3A_138 = arith.constant 1 : i32
      %get3A_139 = arith.index_cast %get3A_138 : i32 to index
      %get3A_140 = arith.constant 16 : index
      %get3A_141 = tpu.vector_load %arg6[%get3A_139, %get3A_140] {strides = array<i32>} : memref<4x64xf32, #tpu.memory_space<vmem>>, vector<1x16xf32>,
      %get3A_142 = vector.shape_cast %get3A_141 : vector<1x16xf32> to vector<16xf32>
      %swap3A_143 = arith.constant 1 : i32
      %swap3A_144 = arith.index_cast %swap3A_143 : i32 to index
      %swap3A_145 = arith.constant 80 : index
      %swap3A_146 = tpu.vector_load %arg7[%swap3A_144, %swap3A_145] {strides = array<i32>} : memref<4x128xf32, #tpu.memory_space<vmem>>, vector<1x16xf32>,
      %swap3A_147 = vector.shape_cast %swap3A_146 : vector<1x16xf32> to vector<16xf32>
      %swap3A_148 = vector.shape_cast %get3A_142 : vector<16xf32> to vector<1x16xf32>
      tpu.vector_store %arg7[%swap3A_144, %swap3A_145], %swap3A_148 {strides = array<i32>} : memref<4x128xf32, #tpu.memory_space<vmem>>, vector<1x16xf32>,
      %get3A_149 = arith.constant 1 : i32
      %get3A_150 = arith.index_cast %get3A_149 : i32 to index
      %get3A_151 = arith.constant 32 : index
      %get3A_152 = tpu.vector_load %arg6[%get3A_150, %get3A_151] {strides = array<i32>} : memref<4x64xf32, #tpu.memory_space<vmem>>, vector<1x16xf32>,
      %get3A_153 = vector.shape_cast %get3A_152 : vector<1x16xf32> to vector<16xf32>
      %swap3A_154 = arith.constant 1 : i32
      %swap3A_155 = arith.index_cast %swap3A_154 : i32 to index
      %swap3A_156 = arith.constant 96 : index
      %swap3A_157 = tpu.vector_load %arg7[%swap3A_155, %swap3A_156] {strides = array<i32>} : memref<4x128xf32, #tpu.memory_space<vmem>>, vector<1x16xf32>,
      %swap3A_158 = vector.shape_cast %swap3A_157 : vector<1x16xf32> to vector<16xf32>
      %swap3A_159 = vector.shape_cast %get3A_153 : vector<16xf32> to vector<1x16xf32>
      tpu.vector_store %arg7[%swap3A_155, %swap3A_156], %swap3A_159 {strides = array<i32>} : memref<4x128xf32, #tpu.memory_space<vmem>>, vector<1x16xf32>,
      %get3A_160 = arith.constant 1 : i32
      %get3A_161 = arith.index_cast %get3A_160 : i32 to index
      %get3A_162 = arith.constant 48 : index
      %get3A_163 = tpu.vector_load %arg6[%get3A_161, %get3A_162] {strides = array<i32>} : memref<4x64xf32, #tpu.memory_space<vmem>>, vector<1x16xf32>,
      %get3A_164 = vector.shape_cast %get3A_163 : vector<1x16xf32> to vector<16xf32>
      %swap3A_165 = arith.constant 1 : i32
      %swap3A_166 = arith.index_cast %swap3A_165 : i32 to index
      %swap3A_167 = arith.constant 112 : index
      %swap3A_168 = tpu.vector_load %arg7[%swap3A_166, %swap3A_167] {strides = array<i32>} : memref<4x128xf32, #tpu.memory_space<vmem>>, vector<1x16xf32>,
      %swap3A_169 = vector.shape_cast %swap3A_168 : vector<1x16xf32> to vector<16xf32>
      %swap3A_170 = vector.shape_cast %get3A_164 : vector<16xf32> to vector<1x16xf32>
      tpu.vector_store %arg7[%swap3A_166, %swap3A_167], %swap3A_170 {strides = array<i32>} : memref<4x128xf32, #tpu.memory_space<vmem>>, vector<1x16xf32>,
      %get3A_171 = arith.constant 0 : index
      %get3A_172 = tpu.vector_load %arg5[%get3A_171] {strides = array<i32>} : memref<64xf32, #tpu.memory_space<vmem>>, vector<16xf32>,
      %get3A_173 = vector.shape_cast %get3A_172 : vector<16xf32> to vector<16xf32>
      %swap3A_174 = arith.constant 2 : i32
      %swap3A_175 = arith.index_cast %swap3A_174 : i32 to index
      %swap3A_176 = arith.constant 0 : index
      %swap3A_177 = tpu.vector_load %arg7[%swap3A_175, %swap3A_176] {strides = array<i32>} : memref<4x128xf32, #tpu.memory_space<vmem>>, vector<1x16xf32>,
      %swap3A_178 = vector.shape_cast %swap3A_177 : vector<1x16xf32> to vector<16xf32>
      %swap3A_179 = vector.shape_cast %get3A_173 : vector<16xf32> to vector<1x16xf32>
      tpu.vector_store %arg7[%swap3A_175, %swap3A_176], %swap3A_179 {strides = array<i32>} : memref<4x128xf32, #tpu.memory_space<vmem>>, vector<1x16xf32>,
      %get3A_180 = arith.constant 16 : index
      %get3A_181 = tpu.vector_load %arg5[%get3A_180] {strides = array<i32>} : memref<64xf32, #tpu.memory_space<vmem>>, vector<16xf32>,
      %get3A_182 = vector.shape_cast %get3A_181 : vector<16xf32> to vector<16xf32>
      %swap3A_183 = arith.constant 2 : i32
      %swap3A_184 = arith.index_cast %swap3A_183 : i32 to index
      %swap3A_185 = arith.constant 16 : index
      %swap3A_186 = tpu.vector_load %arg7[%swap3A_184, %swap3A_185] {strides = array<i32>} : memref<4x128xf32, #tpu.memory_space<vmem>>, vector<1x16xf32>,
      %swap3A_187 = vector.shape_cast %swap3A_186 : vector<1x16xf32> to vector<16xf32>
      %swap3A_188 = vector.shape_cast %get3A_182 : vector<16xf32> to vector<1x16xf32>
      tpu.vector_store %arg7[%swap3A_184, %swap3A_185], %swap3A_188 {strides = array<i32>} : memref<4x128xf32, #tpu.memory_space<vmem>>, vector<1x16xf32>,
      %get3A_189 = arith.constant 32 : index
      %get3A_190 = tpu.vector_load %arg5[%get3A_189] {strides = array<i32>} : memref<64xf32, #tpu.memory_space<vmem>>, vector<16xf32>,
      %get3A_191 = vector.shape_cast %get3A_190 : vector<16xf32> to vector<16xf32>
      %swap3A_192 = arith.constant 2 : i32
      %swap3A_193 = arith.index_cast %swap3A_192 : i32 to index
      %swap3A_194 = arith.constant 32 : index
      %swap3A_195 = tpu.vector_load %arg7[%swap3A_193, %swap3A_194] {strides = array<i32>} : memref<4x128xf32, #tpu.memory_space<vmem>>, vector<1x16xf32>,
      %swap3A_196 = vector.shape_cast %swap3A_195 : vector<1x16xf32> to vector<16xf32>
      %swap3A_197 = vector.shape_cast %get3A_191 : vector<16xf32> to vector<1x16xf32>
      tpu.vector_store %arg7[%swap3A_193, %swap3A_194], %swap3A_197 {strides = array<i32>} : memref<4x128xf32, #tpu.memory_space<vmem>>, vector<1x16xf32>,
      %get3A_198 = arith.constant 48 : index
      %get3A_199 = tpu.vector_load %arg5[%get3A_198] {strides = array<i32>} : memref<64xf32, #tpu.memory_space<vmem>>, vector<16xf32>,
      %get3A_200 = vector.shape_cast %get3A_199 : vector<16xf32> to vector<16xf32>
      %swap3A_201 = arith.constant 2 : i32
      %swap3A_202 = arith.index_cast %swap3A_201 : i32 to index
      %swap3A_203 = arith.constant 48 : index
      %swap3A_204 = tpu.vector_load %arg7[%swap3A_202, %swap3A_203] {strides = array<i32>} : memref<4x128xf32, #tpu.memory_space<vmem>>, vector<1x16xf32>,
      %swap3A_205 = vector.shape_cast %swap3A_204 : vector<1x16xf32> to vector<16xf32>
      %swap3A_206 = vector.shape_cast %get3A_200 : vector<16xf32> to vector<1x16xf32>
      tpu.vector_store %arg7[%swap3A_202, %swap3A_203], %swap3A_206 {strides = array<i32>} : memref<4x128xf32, #tpu.memory_space<vmem>>, vector<1x16xf32>,
      %get3A_207 = arith.constant 2 : i32
      %get3A_208 = arith.index_cast %get3A_207 : i32 to index
      %get3A_209 = arith.constant 0 : index
      %get3A_210 = tpu.vector_load %arg6[%get3A_208, %get3A_209] {strides = array<i32>} : memref<4x64xf32, #tpu.memory_space<vmem>>, vector<1x16xf32>,
      %get3A_211 = vector.shape_cast %get3A_210 : vector<1x16xf32> to vector<16xf32>
      %swap3A_212 = arith.constant 2 : i32
      %swap3A_213 = arith.index_cast %swap3A_212 : i32 to index
      %swap3A_214 = arith.constant 64 : index
      %swap3A_215 = tpu.vector_load %arg7[%swap3A_213, %swap3A_214] {strides = array<i32>} : memref<4x128xf32, #tpu.memory_space<vmem>>, vector<1x16xf32>,
      %swap3A_216 = vector.shape_cast %swap3A_215 : vector<1x16xf32> to vector<16xf32>
      %swap3A_217 = vector.shape_cast %get3A_211 : vector<16xf32> to vector<1x16xf32>
      tpu.vector_store %arg7[%swap3A_213, %swap3A_214], %swap3A_217 {strides = array<i32>} : memref<4x128xf32, #tpu.memory_space<vmem>>, vector<1x16xf32>,
      %get3A_218 = arith.constant 2 : i32
      %get3A_219 = arith.index_cast %get3A_218 : i32 to index
      %get3A_220 = arith.constant 16 : index
      %get3A_221 = tpu.vector_load %arg6[%get3A_219, %get3A_220] {strides = array<i32>} : memref<4x64xf32, #tpu.memory_space<vmem>>, vector<1x16xf32>,
      %get3A_222 = vector.shape_cast %get3A_221 : vector<1x16xf32> to vector<16xf32>
      %swap3A_223 = arith.constant 2 : i32
      %swap3A_224 = arith.index_cast %swap3A_223 : i32 to index
      %swap3A_225 = arith.constant 80 : index
      %swap3A_226 = tpu.vector_load %arg7[%swap3A_224, %swap3A_225] {strides = array<i32>} : memref<4x128xf32, #tpu.memory_space<vmem>>, vector<1x16xf32>,
      %swap3A_227 = vector.shape_cast %swap3A_226 : vector<1x16xf32> to vector<16xf32>
      %swap3A_228 = vector.shape_cast %get3A_222 : vector<16xf32> to vector<1x16xf32>
      tpu.vector_store %arg7[%swap3A_224, %swap3A_225], %swap3A_228 {strides = array<i32>} : memref<4x128xf32, #tpu.memory_space<vmem>>, vector<1x16xf32>,
      %get3A_229 = arith.constant 2 : i32
      %get3A_230 = arith.index_cast %get3A_229 : i32 to index
      %get3A_231 = arith.constant 32 : index
      %get3A_232 = tpu.vector_load %arg6[%get3A_230, %get3A_231] {strides = array<i32>} : memref<4x64xf32, #tpu.memory_space<vmem>>, vector<1x16xf32>,
      %get3A_233 = vector.shape_cast %get3A_232 : vector<1x16xf32> to vector<16xf32>
      %swap3A_234 = arith.constant 2 : i32
      %swap3A_235 = arith.index_cast %swap3A_234 : i32 to index
      %swap3A_236 = arith.constant 96 : index
      %swap3A_237 = tpu.vector_load %arg7[%swap3A_235, %swap3A_236] {strides = array<i32>} : memref<4x128xf32, #tpu.memory_space<vmem>>, vector<1x16xf32>,
      %swap3A_238 = vector.shape_cast %swap3A_237 : vector<1x16xf32> to vector<16xf32>
      %swap3A_239 = vector.shape_cast %get3A_233 : vector<16xf32> to vector<1x16xf32>
      tpu.vector_store %arg7[%swap3A_235, %swap3A_236], %swap3A_239 {strides = array<i32>} : memref<4x128xf32, #tpu.memory_space<vmem>>, vector<1x16xf32>,
      %get3A_240 = arith.constant 2 : i32
      %get3A_241 = arith.index_cast %get3A_240 : i32 to index
      %get3A_242 = arith.constant 48 : index
      %get3A_243 = tpu.vector_load %arg6[%get3A_241, %get3A_242] {strides = array<i32>} : memref<4x64xf32, #tpu.memory_space<vmem>>, vector<1x16xf32>,
      %get3A_244 = vector.shape_cast %get3A_243 : vector<1x16xf32> to vector<16xf32>
      %swap3A_245 = arith.constant 2 : i32
      %swap3A_246 = arith.index_cast %swap3A_245 : i32 to index
      %swap3A_247 = arith.constant 112 : index
      %swap3A_248 = tpu.vector_load %arg7[%swap3A_246, %swap3A_247] {strides = array<i32>} : memref<4x128xf32, #tpu.memory_space<vmem>>, vector<1x16xf32>,
      %swap3A_249 = vector.shape_cast %swap3A_248 : vector<1x16xf32> to vector<16xf32>
      %swap3A_250 = vector.shape_cast %get3A_244 : vector<16xf32> to vector<1x16xf32>
      tpu.vector_store %arg7[%swap3A_246, %swap3A_247], %swap3A_250 {strides = array<i32>} : memref<4x128xf32, #tpu.memory_space<vmem>>, vector<1x16xf32>,
      %get3A_251 = arith.constant 0 : index
      %get3A_252 = tpu.vector_load %arg5[%get3A_251] {strides = array<i32>} : memref<64xf32, #tpu.memory_space<vmem>>, vector<16xf32>,
      %get3A_253 = vector.shape_cast %get3A_252 : vector<16xf32> to vector<16xf32>
      %swap3A_254 = arith.constant 3 : i32
      %swap3A_255 = arith.index_cast %swap3A_254 : i32 to index
      %swap3A_256 = arith.constant 0 : index
      %swap3A_257 = tpu.vector_load %arg7[%swap3A_255, %swap3A_256] {strides = array<i32>} : memref<4x128xf32, #tpu.memory_space<vmem>>, vector<1x16xf32>,
      %swap3A_258 = vector.shape_cast %swap3A_257 : vector<1x16xf32> to vector<16xf32>
      %swap3A_259 = vector.shape_cast %get3A_253 : vector<16xf32> to vector<1x16xf32>
      tpu.vector_store %arg7[%swap3A_255, %swap3A_256], %swap3A_259 {strides = array<i32>} : memref<4x128xf32, #tpu.memory_space<vmem>>, vector<1x16xf32>,
      %get3A_260 = arith.constant 16 : index
      %get3A_261 = tpu.vector_load %arg5[%get3A_260] {strides = array<i32>} : memref<64xf32, #tpu.memory_space<vmem>>, vector<16xf32>,
      %get3A_262 = vector.shape_cast %get3A_261 : vector<16xf32> to vector<16xf32>
      %swap3A_263 = arith.constant 3 : i32
      %swap3A_264 = arith.index_cast %swap3A_263 : i32 to index
      %swap3A_265 = arith.constant 16 : index
      %swap3A_266 = tpu.vector_load %arg7[%swap3A_264, %swap3A_265] {strides = array<i32>} : memref<4x128xf32, #tpu.memory_space<vmem>>, vector<1x16xf32>,
      %swap3A_267 = vector.shape_cast %swap3A_266 : vector<1x16xf32> to vector<16xf32>
      %swap3A_268 = vector.shape_cast %get3A_262 : vector<16xf32> to vector<1x16xf32>
      tpu.vector_store %arg7[%swap3A_264, %swap3A_265], %swap3A_268 {strides = array<i32>} : memref<4x128xf32, #tpu.memory_space<vmem>>, vector<1x16xf32>,
      %get3A_269 = arith.constant 32 : index
      %get3A_270 = tpu.vector_load %arg5[%get3A_269] {strides = array<i32>} : memref<64xf32, #tpu.memory_space<vmem>>, vector<16xf32>,
      %get3A_271 = vector.shape_cast %get3A_270 : vector<16xf32> to vector<16xf32>
      %swap3A_272 = arith.constant 3 : i32
      %swap3A_273 = arith.index_cast %swap3A_272 : i32 to index
      %swap3A_274 = arith.constant 32 : index
      %swap3A_275 = tpu.vector_load %arg7[%swap3A_273, %swap3A_274] {strides = array<i32>} : memref<4x128xf32, #tpu.memory_space<vmem>>, vector<1x16xf32>,
      %swap3A_276 = vector.shape_cast %swap3A_275 : vector<1x16xf32> to vector<16xf32>
      %swap3A_277 = vector.shape_cast %get3A_271 : vector<16xf32> to vector<1x16xf32>
      tpu.vector_store %arg7[%swap3A_273, %swap3A_274], %swap3A_277 {strides = array<i32>} : memref<4x128xf32, #tpu.memory_space<vmem>>, vector<1x16xf32>,
      %get3A_278 = arith.constant 48 : index
      %get3A_279 = tpu.vector_load %arg5[%get3A_278] {strides = array<i32>} : memref<64xf32, #tpu.memory_space<vmem>>, vector<16xf32>,
      %get3A_280 = vector.shape_cast %get3A_279 : vector<16xf32> to vector<16xf32>
      %swap3A_281 = arith.constant 3 : i32
      %swap3A_282 = arith.index_cast %swap3A_281 : i32 to index
      %swap3A_283 = arith.constant 48 : index
      %swap3A_284 = tpu.vector_load %arg7[%swap3A_282, %swap3A_283] {strides = array<i32>} : memref<4x128xf32, #tpu.memory_space<vmem>>, vector<1x16xf32>,
      %swap3A_285 = vector.shape_cast %swap3A_284 : vector<1x16xf32> to vector<16xf32>
      %swap3A_286 = vector.shape_cast %get3A_280 : vector<16xf32> to vector<1x16xf32>
      tpu.vector_store %arg7[%swap3A_282, %swap3A_283], %swap3A_286 {strides = array<i32>} : memref<4x128xf32, #tpu.memory_space<vmem>>, vector<1x16xf32>,
      %get3A_287 = arith.constant 3 : i32
      %get3A_288 = arith.index_cast %get3A_287 : i32 to index
      %get3A_289 = arith.constant 0 : index
      %get3A_290 = tpu.vector_load %arg6[%get3A_288, %get3A_289] {strides = array<i32>} : memref<4x64xf32, #tpu.memory_space<vmem>>, vector<1x16xf32>,
      %get3A_291 = vector.shape_cast %get3A_290 : vector<1x16xf32> to vector<16xf32>
      %swap3A_292 = arith.constant 3 : i32
      %swap3A_293 = arith.index_cast %swap3A_292 : i32 to index
      %swap3A_294 = arith.constant 64 : index
      %swap3A_295 = tpu.vector_load %arg7[%swap3A_293, %swap3A_294] {strides = array<i32>} : memref<4x128xf32, #tpu.memory_space<vmem>>, vector<1x16xf32>,
      %swap3A_296 = vector.shape_cast %swap3A_295 : vector<1x16xf32> to vector<16xf32>
      %swap3A_297 = vector.shape_cast %get3A_291 : vector<16xf32> to vector<1x16xf32>
      tpu.vector_store %arg7[%swap3A_293, %swap3A_294], %swap3A_297 {strides = array<i32>} : memref<4x128xf32, #tpu.memory_space<vmem>>, vector<1x16xf32>,
      %get3A_298 = arith.constant 3 : i32
      %get3A_299 = arith.index_cast %get3A_298 : i32 to index
      %get3A_300 = arith.constant 16 : index
      %get3A_301 = tpu.vector_load %arg6[%get3A_299, %get3A_300] {strides = array<i32>} : memref<4x64xf32, #tpu.memory_space<vmem>>, vector<1x16xf32>,
      %get3A_302 = vector.shape_cast %get3A_301 : vector<1x16xf32> to vector<16xf32>
      %swap3A_303 = arith.constant 3 : i32
      %swap3A_304 = arith.index_cast %swap3A_303 : i32 to index
      %swap3A_305 = arith.constant 80 : index
      %swap3A_306 = tpu.vector_load %arg7[%swap3A_304, %swap3A_305] {strides = array<i32>} : memref<4x128xf32, #tpu.memory_space<vmem>>, vector<1x16xf32>,
      %swap3A_307 = vector.shape_cast %swap3A_306 : vector<1x16xf32> to vector<16xf32>
      %swap3A_308 = vector.shape_cast %get3A_302 : vector<16xf32> to vector<1x16xf32>
      tpu.vector_store %arg7[%swap3A_304, %swap3A_305], %swap3A_308 {strides = array<i32>} : memref<4x128xf32, #tpu.memory_space<vmem>>, vector<1x16xf32>,
      %get3A_309 = arith.constant 3 : i32
      %get3A_310 = arith.index_cast %get3A_309 : i32 to index
      %get3A_311 = arith.constant 32 : index
      %get3A_312 = tpu.vector_load %arg6[%get3A_310, %get3A_311] {strides = array<i32>} : memref<4x64xf32, #tpu.memory_space<vmem>>, vector<1x16xf32>,
      %get3A_313 = vector.shape_cast %get3A_312 : vector<1x16xf32> to vector<16xf32>
      %swap3A_314 = arith.constant 3 : i32
      %swap3A_315 = arith.index_cast %swap3A_314 : i32 to index
      %swap3A_316 = arith.constant 96 : index
      %swap3A_317 = tpu.vector_load %arg7[%swap3A_315, %swap3A_316] {strides = array<i32>} : memref<4x128xf32, #tpu.memory_space<vmem>>, vector<1x16xf32>,
      %swap3A_318 = vector.shape_cast %swap3A_317 : vector<1x16xf32> to vector<16xf32>
      %swap3A_319 = vector.shape_cast %get3A_313 : vector<16xf32> to vector<1x16xf32>
      tpu.vector_store %arg7[%swap3A_315, %swap3A_316], %swap3A_319 {strides = array<i32>} : memref<4x128xf32, #tpu.memory_space<vmem>>, vector<1x16xf32>,
      %get3A_320 = arith.constant 3 : i32
      %get3A_321 = arith.index_cast %get3A_320 : i32 to index
      %get3A_322 = arith.constant 48 : index
      %get3A_323 = tpu.vector_load %arg6[%get3A_321, %get3A_322] {strides = array<i32>} : memref<4x64xf32, #tpu.memory_space<vmem>>, vector<1x16xf32>,
      %get3A_324 = vector.shape_cast %get3A_323 : vector<1x16xf32> to vector<16xf32>
      %swap3A_325 = arith.constant 3 : i32
      %swap3A_326 = arith.index_cast %swap3A_325 : i32 to index
      %swap3A_327 = arith.constant 112 : index
      %swap3A_328 = tpu.vector_load %arg7[%swap3A_326, %swap3A_327] {strides = array<i32>} : memref<4x128xf32, #tpu.memory_space<vmem>>, vector<1x16xf32>,
      %swap3A_329 = vector.shape_cast %swap3A_328 : vector<1x16xf32> to vector<16xf32>
      %swap3A_330 = vector.shape_cast %get3A_324 : vector<16xf32> to vector<1x16xf32>
      tpu.vector_store %arg7[%swap3A_326, %swap3A_327], %swap3A_330 {strides = array<i32>} : memref<4x128xf32, #tpu.memory_space<vmem>>, vector<1x16xf32>,
      %mul3A_331 = arith.constant 4 : i32
      %mul3A_332 = arith.muli %add3A, %mul3A_331 : i32
      "tpu.region"() ({
        %run_scoped3A = tpu.sem_alloc : memref<!tpu.dma_semaphore, #tpu.memory_space<semaphore_mem>>
        %dma_start3A_333 = arith.constant 0 : i32
        %dma_start3A_334 = tpu.memref_slice %arg4[%mul3A_332, %dma_start3A_333] : memref<52x128xf32, #tpu.memory_space<hbm>> -> memref<4x128xf32, #tpu.memory_space<hbm>>
        %dma_start3A_335 = arith.constant 0 : i32
        %dma_start3A_336 = tpu.memref_slice %arg4[%mul3A_332, %dma_start3A_335] : memref<52x128xf32, #tpu.memory_space<hbm>> -> memref<4x128xf32, #tpu.memory_space<hbm>>
        tpu.enqueue_dma source(%arg7 : memref<4x128xf32, #tpu.memory_space<vmem>>) target(%dma_start3A_336 : memref<4x128xf32, #tpu.memory_space<hbm>>) target_semaphore(%run_scoped3A : memref<!tpu.dma_semaphore, #tpu.memory_space<semaphore_mem>>)
        %dma_wait3A_337 = arith.constant 0 : i32
        %dma_wait3A_338 = tpu.memref_slice %arg4[%mul3A_332, %dma_wait3A_337] : memref<52x128xf32, #tpu.memory_space<hbm>> -> memref<4x128xf32, #tpu.memory_space<hbm>>
        %dma_wait3A_339 = arith.constant 0 : i32
        %dma_wait3A_340 = tpu.memref_slice %arg4[%mul3A_332, %dma_wait3A_339] : memref<52x128xf32, #tpu.memory_space<hbm>> -> memref<4x128xf32, #tpu.memory_space<hbm>>
        tpu.wait_dma2 semaphore(%run_scoped3A : memref<!tpu.dma_semaphore, #tpu.memory_space<semaphore_mem>>) src(%arg7 : memref<4x128xf32, #tpu.memory_space<vmem>>) dst(%dma_wait3A_340 : memref<4x128xf32, #tpu.memory_space<hbm>>)
        tpu.yield
      }) : () -> ()
    } else {
    }
    return
  }
}

module attributes {stable_mosaic.version = 14 : i64} {
  func.func @_pool_body(%arg0: i32, %arg1: memref<8192x52xf32, #tpu.memory_space<vmem>>, %arg2: memref<52x128xf32, #tpu.memory_space<vmem>>, %arg3: memref<8192x128xf32, #tpu.memory_space<vmem>>) attributes {dimension_semantics = [#tpu.dimension_semantics<arbitrary>], iteration_bounds = array<i64: 2>, scalar_prefetch = 0 : i64, scratch_operands = 0 : i64, tpu.core_type = #tpu.core_type<tc>, window_params = [{transform_indices = @transform_0, window_bounds = array<i64: 8192, 52>}, {pipeline_mode = #tpu.pipeline_mode<synchronous>, transform_indices = @transform_1, window_bounds = array<i64: 52, 128>}, {transform_indices = @transform_2, window_bounds = array<i64: 8192, 128>}]} {
    %get3A = arith.constant 0 : index
    %get3A_0 = arith.constant 0 : index
    %get3A_1 = vector.load %arg1[%get3A, %get3A_0] : memref<8192x52xf32, #tpu.memory_space<vmem>>, vector<8192x52xf32>
    %get3A_2 = arith.constant 0 : index
    %get3A_3 = arith.constant 0 : index
    %get3A_4 = vector.load %arg2[%get3A_2, %get3A_3] : memref<52x128xf32, #tpu.memory_space<vmem>>, vector<52x128xf32>
    %reduce_sum3A = arith.constant dense<0.000000e+00> : vector<8192xf32>
    %reduce_sum3A_5 = vector.multi_reduction <add>, %get3A_1, %reduce_sum3A [1] : vector<8192x52xf32> to vector<8192xf32>
    %broadcast_in_dim3A = vector.shape_cast %reduce_sum3A_5 : vector<8192xf32> to vector<8192x1xf32>
    %max3A = arith.constant 1.000000e+00 : f32
    %max3A_6 = vector.broadcast %max3A : f32 to vector<8192x1xf32>
    %max3A_7 = arith.maximumf %broadcast_in_dim3A, %max3A_6 : vector<8192x1xf32>
    %dot_general3A = arith.constant dense<0.000000e+00> : vector<8192x128xf32>
    %dot_general3A_8 = tpu.matmul %get3A_1, %get3A_4, %dot_general3A {dimension_numbers = #tpu.dot_dimension_numbers<[1], [0], [0], [1], [0, 0, 1, 1], [], []>, transpose_lhs_hint = false} : vector<8192x52xf32>, vector<52x128xf32>, vector<8192x128xf32> -> vector<8192x128xf32>
    %div3A = vector.broadcast %max3A_7 : vector<8192x1xf32> to vector<8192x128xf32>
    %div3A_9 = arith.divf %dot_general3A_8, %div3A : vector<8192x128xf32>
    %swap3A = arith.constant 0 : index
    %swap3A_10 = arith.constant 0 : index
    %swap3A_11 = vector.load %arg3[%swap3A, %swap3A_10] : memref<8192x128xf32, #tpu.memory_space<vmem>>, vector<8192x128xf32>
    tpu.vector_store %arg3[%swap3A, %swap3A_10], %div3A_9 {strides = array<i32>} : memref<8192x128xf32, #tpu.memory_space<vmem>>, vector<8192x128xf32>,
    return
  }
  func.func @transform_0(%arg0: i32) -> (i32, i32) {
    %c0_i32 = arith.constant 0 : i32
    %c0_i32_0 = arith.constant 0 : i32
    return %arg0, %c0_i32 : i32, i32
  }
  func.func @transform_1(%arg0: i32) -> (i32, i32) {
    %c0_i32 = arith.constant 0 : i32
    %c0_i32_0 = arith.constant 0 : i32
    %c0_i32_1 = arith.constant 0 : i32
    return %c0_i32, %c0_i32_0 : i32, i32
  }
  func.func @transform_2(%arg0: i32) -> (i32, i32) {
    %c0_i32 = arith.constant 0 : i32
    %c0_i32_0 = arith.constant 0 : i32
    return %arg0, %c0_i32 : i32, i32
  }
}

</mosaic_0001>

<sc_bundles>
// kernel: kernel.4.cloned.1.call-start
scs
__scs_entry_jumppad:
0x0: {  	(pc) =	sbr.rel $0x88, $3  }
0x1: {  	(tag) =	ssettag $0x0;
	lr =	simm.s32 $0x1  }
0x2: {  	[smem:$0x3F9E] =	sst lr;
	_ =	strace $0xD0000000  }
0x3: {  	_ = 	snop  }
0x4: {  	_ = 	snop  }
0x5: {  	_ = 	snop  }
0x6: {  	_ = 	snop  }
0x7: {  	_ = 	snop  }
__scs_overlays_trampoline_lowered:
0x8: {  	[smem:$0x3FAD] =	sst s0  }
0x9: {  	[smem:$0x3FAE] =	sst s1  }
0xa: {  	[smem:$0x3FAF] =	sst s2  }
0xb: {  	[smem:$0x3FB0] =	sst s3  }
0xc: {  	[smem:$0x3FB1] =	sst s4  }
0xd: {  	[smem:$0x3FB2] =	sst s5  }
0xe: {  	[smem:$0x3FB3] =	sst s6  }
0xf: {  	[smem:$0x3FB4] =	sst s7  }
0x10: {  	[smem:$0x3FB5] =	sst s8  }
0x11: {  	[smem:$0x3FB6] =	sst s9;
	s0 =	simm.s32 @!p0 $0x0  }
0x12: {  	s1 =	sld [smem:$0x3F9C];
	s0 =	simm.s32 @p0 $0x1  }
0x13: {  	[smem:$0x3FB7] =	sst s0;
	s0 =	simm.s32 @!p1 $0x0  }
0x14: {  	s2 =	sld [smem:$0x3F9B];
	s0 =	simm.s32 @p1 $0x1  }
0x15: {  	[smem:$0x3FB8] =	sst s0;
	s0 =	simm.s32 @!p2 $0x0  }
0x16: {  	s3 =	sld [smem:$0x3FDB];
	s0 =	simm.s32 @p2 $0x1  }
0x17: {  	s4 =	simm.s32 $0x1BF5;
	[smem:$0x3FBA] =	sst s0  }
0x18: {  	s0 =	sld [smem:$0x3F9D];
	_ =	swait.ge [sflag:s4], $0x0  }
0x19: {  	s7 =	sld [smem:$0x3F9E]  }
0x1a: {  	s8 =	sadd.s32 $0xFFFFE003, lr  }
0x1b: {  	s9 =	sadd.s32 $0xFFFFFEF7, lr;
	s5 =	simm.s32 $0xFFFFFFFF;
	p2 =	slt.u32 s8, $0xFFFFF086  }
0x1c: {  	p1 =	slt.u32 s9, $0xF7A;
	s5 =	simm.s32 @!p2 $0x0  }
0x1d: {  	s5 =	simm.s32 @p1 $0x1;
	p0 =	seq.s32 s7, s2  }
0x1e: {  	s7 =	smul.u32 @!p0 $0xF7A, s2;
	p2 =	seq.s32 @!p0 s5, $0x0  }
0x1f: {  	s9 =	smul.u32 $0xF7A, s1;
	s8 =	simm.s32 @!p0 $0x1BF5;
	p2 =	por !p2, p0  }
0x20: {  	[sflag:s8] =	ssyncset.s32 @!p0 $0xFFFFF086;
	s6 =	sadd.s32 @!p0 s3, s7;
	s7 =	simm.s32 @!p0 $0x108  }
0x21: {  	s3 =	sadd.s32 s3, s9;
	s6 =	sadd.s32 @!p0 $0x88, s6;
	s7 =	simm.s32 @p2 $0x1082  }
0x22: {  	[simem:s7], [sflag:s8] =	dma.local @!p0 [hbm:s6], $0xF7A  }
0x23: {  	s9 =	sor.u32 $0xD0000000, s2;
	s6 =	simm.s32 $0x108;
	_ =	swait.ge @!p0 [sflag:s8], $0x0  }
0x24: {  	s3 =	sadd.s32 $0x88, s3;
	s6 =	simm.s32 @!p1 $0x1082;
	[sflag:s4] =	ssyncset.s32 $0xFFFFF086  }
0x25: {  	[simem:s6], [sflag:s4] =	dma.local [hbm:s3], $0xF7A  }
0x26: {  	[smem:$0x3F9E] =	sst s1;
	(tag) =	ssettag s2;
	_ =	strace s9  }
0x27: {  	s1 =	sld [smem:$0x3FAE]  }
0x28: {  	s2 =	sld [smem:$0x3FAF]  }
0x29: {  	s4 =	sld [smem:$0x3FB1]  }
0x2a: {  	p0 =	seq.s32 s5, $0x0;
	s5 =	sld [smem:$0x3FB2]  }
0x2b: {  	s6 =	sld [smem:$0x3FB3]  }
0x2c: {  	s7 =	sld [smem:$0x3FB4]  }
0x2d: {  	s3 =	simm.s32 $0x108;
	s8 =	sld [smem:$0x3FB5]  }
0x2e: {  	s3 =	simm.s32 @!p0 $0x1082;
	s9 =	sld [smem:$0x3FB6]  }
0x2f: {  	lr =	sadd.s32 s0, s3;
	s0 =	sld [smem:$0x3FAD]  }
0x30: {  	s3 =	sld [smem:$0x3FB0]  }
0x31: {  	[smem:$0x3FB9] =	sst s10  }
0x32: {  	s10 =	sld [smem:$0x3FB7];
	_ =	sdelay $0x3  }
0x33: {  	p0 =	seq.s32 s10, $0x1;
	s10 =	sld [smem:$0x3FB9];
	_ =	sdelay $0x3  }
0x34: {  	[smem:$0x3FB9] =	sst s10  }
0x35: {  	s10 =	sld [smem:$0x3FB8];
	_ =	sdelay $0x3  }
0x36: {  	p1 =	seq.s32 s10, $0x1;
	s10 =	sld [smem:$0x3FB9];
	_ =	sdelay $0x3  }
0x37: {  	[smem:$0x3FB9] =	sst s10  }
0x38: {  	s10 =	sld [smem:$0x3FBA]  }
0x39: {  	_ = 	snop;
	(pc) =	sbr.ind lr, $3  }
0x3a: {  	_ = 	snop  }
0x3b: {  	_ = 	snop  }
0x3c: {  	p2 =	seq.s32 s10, $0x1;
	s10 =	sld [smem:$0x3FB9]  }
0x3d: {  	_ =	shalt  }
0x3e: {  	_ =	shalt  }
0x3f: {  	_ =	shalt  }
0x40: {  	_ =	shalt  }
0x41: {  	_ =	shalt  }
0x42: {  	_ =	shalt  }
0x43: {  	_ =	shalt  }
0x44: {  	_ =	shalt  }
0x45: {  	_ =	shalt  }
0x46: {  	_ =	shalt  }
0x47: {  	_ =	shalt  }
0x48: {  	_ =	shalt  }
0x49: {  	_ =	shalt  }
0x4a: {  	_ =	shalt  }
0x4b: {  	_ =	shalt  }
0x4c: {  	_ =	shalt  }
0x4d: {  	_ =	shalt  }
0x4e: {  	_ =	shalt  }
0x4f: {  	_ =	shalt  }
0x50: {  	_ =	shalt  }
0x51: {  	_ =	shalt  }
0x52: {  	_ =	shalt  }
0x53: {  	_ =	shalt  }
0x54: {  	_ =	shalt  }
0x55: {  	_ =	shalt  }
0x56: {  	_ =	shalt  }
0x57: {  	_ =	shalt  }
0x58: {  	_ =	shalt  }
0x59: {  	_ =	shalt  }
0x5a: {  	_ =	shalt  }
0x5b: {  	_ =	shalt  }
0x5c: {  	_ =	shalt  }
0x5d: {  	_ =	shalt  }
0x5e: {  	_ =	shalt  }
0x5f: {  	_ =	shalt  }
0x60: {  	_ =	shalt  }
0x61: {  	_ =	shalt  }
0x62: {  	_ =	shalt  }
0x63: {  	_ =	shalt  }
0x64: {  	_ =	shalt  }
0x65: {  	_ =	shalt  }
0x66: {  	_ =	shalt  }
0x67: {  	_ =	shalt  }
0x68: {  	_ =	shalt  }
0x69: {  	_ =	shalt  }
0x6a: {  	_ =	shalt  }
0x6b: {  	_ =	shalt  }
0x6c: {  	_ =	shalt  }
0x6d: {  	_ =	shalt  }
0x6e: {  	_ =	shalt  }
0x6f: {  	_ =	shalt  }
0x70: {  	_ =	shalt  }
0x71: {  	_ =	shalt  }
0x72: {  	_ =	shalt  }
0x73: {  	_ =	shalt  }
0x74: {  	_ =	shalt  }
0x75: {  	_ =	shalt  }
0x76: {  	_ =	shalt  }
0x77: {  	_ =	shalt  }
0x78: {  	_ =	shalt  }
0x79: {  	_ =	shalt  }
0x7a: {  	_ =	shalt  }
0x7b: {  	_ =	shalt  }
0x7c: {  	_ =	shalt  }
0x7d: {  	_ =	shalt  }
0x7e: {  	_ =	shalt  }
0x7f: {  	_ =	shalt  }
0x80: {  	_ =	shalt  }
0x81: {  	_ =	shalt  }
0x82: {  	_ =	shalt  }
0x83: {  	_ =	shalt  }
0x84: {  	_ =	shalt  }
0x85: {  	_ =	shalt  }
0x86: {  	_ =	shalt  }
0x87: {  	_ =	shalt  }
.Lfunc_end0:
.L_simem_size_0:
called_computation_lowered:
.L_overlay_start_0:
0x88: {  	s0 =	sld [smem:$0x3FD9]  }
0x89: {  	s1 =	sld [smem:$0x3FFE];
	_ =	sdelay $0x3  }
0x8a: {  	s0 =	sadd.s32 s1, s0  }
0x8b: {  	[smem:$0x3FC5] =	sst s0  }
0x8c: {  	_ = 	snop  }
0x8d: {  	s0 =	sld [smem:$0x3FC8]  }
0x8e: {  	s17 =	sld [smem:$0x3FC7]  }
0x8f: {  	s2 =	sld [smem:$0x3FD0];
	(tm) =	ssettm $0x1  }
0x90: {  	s3 =	sld [smem:$0x3FFB];
	_ =	sdelay $0x3  }
0x91: {  	_ =	strace s3  }
0x92: {  	s3 =	sld [smem:$0x3FFC];
	_ =	sdelay $0x3  }
0x93: {  	_ =	strace s3  }
0x94: {  	s3 =	sld [smem:$0x3FFD];
	_ =	sdelay $0x3  }
0x95: {  	_ =	strace s3  }
0x96: {  	_ =	strace $0x8FFFFFFF  }
0x97: {  	s18 =	sld [smem:$0x3FDB];
	_ =	sdelay $0x1  }
0x98: {  	s4 =	simm.s32 $_scs_section_size  }
0x99: {  	s5 =	simm.s32 $_size__tile_overlayer_lowered;
	s6 =	simm.s32 $_tile_overlayer_lowered  }
0x9a: {  	s21 =	simm.s32 $0x1BFF;
	s20 =	sshll.u32 s6, $0x1;
	s3 =	sadd.s32 s4, s18  }
0x9b: {  	s7 =	simm.s32 $0x0;
	s19 =	sshll.u32 s5, $0x1;
	s5 =	sadd.s32 s20, s3  }
0x9c: {  	[timem:s7], [sflag:s21] =	dma.local [hbm:s5], s19  }
0x9d: {  	_ =	swait.ge [sflag:s21], s19  }
0x9e: {  	s4 =	ssub.s32 $0x0, s19;
	[sflag:s21] =	ssyncset.done $0x0  }
0x9f: {  	[sflag:s21] =	ssyncadd.s32 s4;
	_ =	sdelay $0x1  }
0xa0: {  	s22 =	simm.s32 $0x1B8B  }
0xa1: {  	_ =	swait.ge [sflag:s22], $0x1  }
0xa2: {  	[sflag:s22] =	ssyncset.done $0x0  }
0xa3: {  	s23 =	simm.s32 $0x1B8E;
	[sflag:s22] =	ssyncadd.s32 $0xFFFFFFFF  }
0xa4: {  	s24 =	simm.s32 $execute0_lowered;
	[smem:$0x3FD2] =	sst s23  }
0xa5: {  	s4 =	sshll.u32 s24, $0x1;
	_ =	strace $0x80000046;
	[dreg:$0x1] =	wrdreg $0xFFFFFFFF  }
0xa6: {  	s25 =	simm.s32 $_size_execute0_lowered;
	s3 =	sadd.s32 s3, s4;
	[dreg:$0x0] =	wrdreg $0x0  }
0xa7: {  	s4 =	sshll.u32 s25, $0x1;
	[dreg:$0x2] =	wrdreg s3  }
0xa8: {  	[dreg:$0x3] =	wrdreg s4  }
0xa9: {  	[dreg:$0x4] =	wrdreg $0xC0  }
0xaa: {  	_ =	task [dreg:s7], $0x5FFFF  }
0xab: {  	[dreg:$0x1] =	wrdreg $0xFFFFFFFF  }
0xac: {  	[dreg:$0x0] =	wrdreg $0x60  }
0xad: {  	[dreg:$0x2] =	wrdreg s0  }
0xae: {  	[dreg:$0x3] =	wrdreg s17  }
0xaf: {  	[dreg:$0x4] =	wrdreg s2  }
0xb0: {  	[dreg:$0x5] =	wrdreg $0x9  }
0xb1: {  	_ =	task.clear_ibuf [dreg:s7], $0x6FFFF;
	_ =	strace $0x90000046  }
0xb2: {  	s26 =	simm.s32 $0x9;
	_ =	strace $0x80000048  }
0xb3: {  	_ =	swait.ge [sflag:s26], $0x1  }
0xb4: {  	[sflag:s26] =	ssyncadd.s32 $0xFFFFFFFF  }
0xb5: {  	_ =	strace $0x90000048  }
0xb6: {  	_ =	sfence  }
0xb7: {  	s28 =	sld [smem:$0x0];
	_ =	sdelay $0x1  }
0xb8: {  	s29 =	srdreg.scid  }
0xb9: {  	s30 =	sshll.u32 s29, $0xD;
	s31 =	sshrl.u32 s29, $0x2  }
0xba: {  	s1 =	sand.u32 $0x1, s29;
	s2 =	sand.u32 $0x4000, s30;
	s0 =	sadd.s32 s31, s28  }
0xbb: {  	s1 =	sor.u32 s2, s1;
	s0 =	sshll.u32 s0, $0x11  }
0xbc: {  	s0 =	sor.u32 s0, s1  }
0xbd: {  	s0 =	sadd.s32 $0x8F2B, s0  }
0xbe: {  	[sflag:s0] =	ssyncadd.remote.s32 $0x1  }
0xbf: {  	_ =	sfence.sel $0xFFFF  }
0xc0: {  	[dreg:$0x0] =	wrdreg $0xFFFFFFFF;
	(pc) =	sbr.abs _section_cstart, $3  }
0xc1: {  	[dreg:$0x1] =	wrdreg $0xFFFFFFFF  }
0xc2: {  	_ =	task.clear_ibuf [dreg:s7], $0x2FFFF;
	_ =	strace $0x9FFFFFFF  }
0xc3: {  	(tm) =	ssettm $0x7FFFFFFF  }
tec
execute0_lowered:
.L_overlay_start_1:
0x0: {  	(tag) =	ssettag $0x1  }
0x1: {  	s1 =	stileid.u32  }
0x2: {  	p0 =	sgt.u32 s1, $0xC  }
.Ltmp0:
0x3: {  	s5 =	rddreg [dreg:$0x0];
	(pc) =	sbr.rel @p0 .LBB2_2-.Ltmp0, $4  }
0x4: {  	s4 =	rddreg [dreg:$0x1]  }
0x5: {  	s3 =	rddreg [dreg:$0x2];
	s2 =	simm.s32 $0x0  }
0x6: {  	[smem:$0x7FF] =	sst s2  }
0x7: {  	s0 =	rddreg [dreg:$0x3];
	_ =	strace $0x80000047  }
0x8: {  	s6 =	sshll.u32 s1, $0x4  }
0x9: {  	s5 =	sadd.s32 s5, s6  }
0xa: {  	[tilespmem:s2], [sflag:$0x1] =	stream.linear.gather [hbm4b:s5+s2], $0x80, $0x38;
	[tilespmem:$0x480] =	vst v63  }
0xb: {  	s25 =	simm.s32 $0x80;
	s26 =	simm.s32 $0x1  }
0xc: {  	[tilespmem:s25], [sflag:$0x2] =	stream.linear.gather [hbm4b:s4+s2], $0x200, $0x38;
	[tilespmem:$0x480] =	vst v63  }
0xd: {  	_ =	swait.ge [sflag:s26], $0x80  }
0xe: {  	[sflag:s26] =	ssyncset.done $0x0  }
0xf: {  	s28 =	simm.s32 $0x2;
	[sflag:s26] =	ssyncadd.s32 $0xFFFFFF80  }
0x10: {  	_ =	swait.ge [sflag:s28], $0x200  }
0x11: {  	[sflag:s28] =	ssyncset.done $0x0  }
0x12: {  	[sflag:s28] =	ssyncadd.s32 $0xFFFFFE00  }
0x13: {  	v0 =	vld [tilespmem:$0x0]  }
0x14: {  	v1 =	vld [tilespmem:$0x10]  }
0x15: {  	v2 =	vld [tilespmem:$0x20]  }
0x16: {  	v3 =	vld [tilespmem:$0x30]  }
0x17: {  	v4 =	vld [tilespmem:$0x80]  }
0x18: {  	v37 =	vld [tilespmem:$0x90];
	[tilespmem:$0x280] =	vst v0  }
0x19: {  	v38 =	vld [tilespmem:$0xA0];
	[tilespmem:$0x290] =	vst v1  }
0x1a: {  	v39 =	vld [tilespmem:$0xB0];
	[tilespmem:$0x2A0] =	vst v2  }
0x1b: {  	v40 =	vld [tilespmem:$0x0];
	[tilespmem:$0x2B0] =	vst v3  }
0x1c: {  	v41 =	vld [tilespmem:$0x10];
	[tilespmem:$0x2C0] =	vst v4  }
0x1d: {  	v42 =	vld [tilespmem:$0x20];
	[tilespmem:$0x2D0] =	vst v37  }
0x1e: {  	v43 =	vld [tilespmem:$0x30];
	[tilespmem:$0x2E0] =	vst v38  }
0x1f: {  	v44 =	vld [tilespmem:$0x100];
	[tilespmem:$0x2F0] =	vst v39  }
0x20: {  	v45 =	vld [tilespmem:$0x110];
	[tilespmem:$0x300] =	vst v40  }
0x21: {  	v46 =	vld [tilespmem:$0x120];
	[tilespmem:$0x310] =	vst v41  }
0x22: {  	v47 =	vld [tilespmem:$0x130];
	[tilespmem:$0x320] =	vst v42  }
0x23: {  	v48 =	vld [tilespmem:$0x0];
	[tilespmem:$0x330] =	vst v43  }
0x24: {  	v49 =	vld [tilespmem:$0x10];
	[tilespmem:$0x340] =	vst v44  }
0x25: {  	v50 =	vld [tilespmem:$0x20];
	[tilespmem:$0x350] =	vst v45  }
0x26: {  	v51 =	vld [tilespmem:$0x30];
	[tilespmem:$0x360] =	vst v46  }
0x27: {  	v52 =	vld [tilespmem:$0x180];
	[tilespmem:$0x370] =	vst v47  }
0x28: {  	v53 =	vld [tilespmem:$0x190];
	[tilespmem:$0x380] =	vst v48  }
0x29: {  	v54 =	vld [tilespmem:$0x1A0];
	[tilespmem:$0x390] =	vst v49  }
0x2a: {  	v55 =	vld [tilespmem:$0x1B0];
	[tilespmem:$0x3A0] =	vst v50  }
0x2b: {  	v56 =	vld [tilespmem:$0x0];
	[tilespmem:$0x3B0] =	vst v51  }
0x2c: {  	v57 =	vld [tilespmem:$0x10];
	[tilespmem:$0x3C0] =	vst v52  }
0x2d: {  	v58 =	vld [tilespmem:$0x20];
	[tilespmem:$0x3D0] =	vst v53  }
0x2e: {  	v59 =	vld [tilespmem:$0x30];
	[tilespmem:$0x3E0] =	vst v54  }
0x2f: {  	v60 =	vld [tilespmem:$0x200];
	[tilespmem:$0x3F0] =	vst v55  }
0x30: {  	v61 =	vld [tilespmem:$0x210];
	[tilespmem:$0x400] =	vst v56  }
0x31: {  	v62 =	vld [tilespmem:$0x220];
	[tilespmem:$0x410] =	vst v57  }
0x32: {  	v63 =	vld [tilespmem:$0x230];
	[tilespmem:$0x420] =	vst v58  }
0x33: {  	[tilespmem:$0x430] =	vst v59  }
0x34: {  	[tilespmem:$0x440] =	vst v60  }
0x35: {  	[tilespmem:$0x450] =	vst v61  }
0x36: {  	s29 =	sshll.u32 s1, $0x6;
	[tilespmem:$0x460] =	vst v62  }
0x37: {  	s30 =	simm.s32 $0x280;
	s31 =	simm.s32 $0x3;
	s3 =	sadd.s32 s3, s29;
	[tilespmem:$0x470] =	vst v63  }
0x38: {  	[hbm4b:s3+s2] =	stream.linear.scatter [tilespmem:s30], [sflag:$0x3], $0x200, $0x38;
	[tilespmem:$0x480] =	vst v63  }
0x39: {  	_ =	swait.ge [sflag:s31], $0x200  }
0x3a: {  	[sflag:s31] =	ssyncset.done $0x0  }
0x3b: {  	[sflag:s31] =	ssyncadd.s32 $0xFFFFFE00  }
.LBB2_2:
0x3c: {  	_ =	sfence.sel $0x180000  }
0x3d: {  	[bflag:$0x0] =	sbarrier.arrive $0xFFFF  }
0x3e: {  	p0 =	sne.s32 s1, $0x0;
	_ =	strace $0x90000047  }
0x3f: {  	s0 =	sadd.s32 @!p0 $0x100000, s0;
	[bflag:$0x2] =	sbarrier.arrive $0xFFFF  }
0x40: {  	[sflag:s0] =	ssyncadd.tile.s32 @!p0 $0x1;
	_ =	shalt  }
.Lfunc_end2:
_tile_overlayer_lowered:
.L_overlay_start_2:
0x41: {  	(tag) =	ssettag $0x2  }
0x42: {  	s0 =	rddreg [dreg:$0x0];
	s2 =	stileid.u32  }
0x43: {  	s1 =	rddreg [dreg:$0x1];
	p0 =	sne.s32 s2, $0x0  }
0x44: {  	s3 =	rddreg [dreg:$0x2];
	[bflag:$0x3] =	sbarrier.arrive $0xFFFF;
	s2 =	simm.s32 @!p0 $0x1C03  }
0x45: {  	[timem:s3], [sflag:s2] =	dma.local @!p0 [hbm:s0], s1  }
0x46: {  	s0 =	simm.s32 @!p0 $0x3  }
0x47: {  	_ =	swait.ge @!p0 [sflag:s0], s1  }
0x48: {  	s1 =	ssub.s32 @!p0 $0x0, s1;
	[sflag:s0] =	ssyncset.done @!p0 $0x0  }
0x49: {  	[sflag:s0] =	ssyncadd.s32 @!p0 s1  }
0x4a: {  	[bflag:$0x3] =	sbarrier.arrive $0xFFFF  }
0x4b: {  	_ =	shalt  }

</sc_bundles>
